<compile_context>
chip_gen: v7x
topology: tpu7x:2x2x1
jax: 0.10.2.dev20260603
libtpu: 0.0.44.dev20260713+nightly
codegen_flags: <defaults>
</compile_context>

<pallas_src>
import functools

import jax
import jax.numpy as jnp
from jax import lax
from jax.experimental import pallas as pl
from jax.experimental.pallas import tpu as pltpu
from jax.experimental.pallas import tpu_sc as plsc

_SC_INFO = plsc.get_sparse_core_info()
_NC = _SC_INFO.num_cores
_NS = _SC_INFO.num_subcores
_NW = _NC * _NS


def _idx_body(n, ncols, noise_ref, out_ref):
    x = noise_ref[...]
    unif = 0.5 * (1.0 + lax.erf(x / jnp.sqrt(jnp.asarray(2.0, x.dtype))))
    idx = jnp.floor(unif * n).astype(jnp.int32)
    idx = jnp.minimum(idx, n - 1)
    col = lax.broadcasted_iota(jnp.int32, x.shape, 1)
    out_ref[...] = idx * ncols + col


def _flat_indices(noise, n, ncols):
    b = noise.shape[0]
    block_rows = 8192
    grid = (b // block_rows,)
    return pl.pallas_call(
        functools.partial(_idx_body, n, ncols),
        grid=grid,
        in_specs=[pl.BlockSpec((block_rows, ncols), lambda i: (i, 0))],
        out_specs=pl.BlockSpec((block_rows, ncols), lambda i: (i, 0)),
        out_shape=jax.ShapeDtypeStruct((b, ncols), jnp.int32),
    )(noise)


def _make_sc_gather(total, chunk):
    per_w = total // _NW
    n_chunks = per_w // chunk
    mesh = plsc.VectorSubcoreMesh(core_axis_name="c", subcore_axis_name="s")

    nbuf = 4
    depth = 2

    @functools.partial(
        pl.kernel,
        mesh=mesh,
        out_type=jax.ShapeDtypeStruct((total,), jnp.float32),
        scratch_types=(
            [pltpu.VMEM((chunk,), jnp.int32) for _ in range(nbuf)]
            + [pltpu.VMEM((chunk,), jnp.float32) for _ in range(nbuf)]
            + [pltpu.SemaphoreType.DMA for _ in range(2 * nbuf)]
        ),
    )
    def sc_gather(order_hbm, idx_hbm, out_hbm, *bufs):
        idx_bufs = bufs[:nbuf]
        row_bufs = bufs[nbuf:2 * nbuf]
        gsems = bufs[2 * nbuf:3 * nbuf]
        osems = bufs[3 * nbuf:]
        wid = lax.axis_index("s") * _NC + lax.axis_index("c")
        base = wid * per_w
        gathers = [None] * nbuf
        stores = [None] * nbuf
        for k in range(n_chunks):
            s = k % nbuf
            if stores[s] is not None:
                stores[s].wait()
            pltpu.sync_copy(idx_hbm.at[pl.ds(base + k * chunk, chunk)],
                            idx_bufs[s])
            gathers[s] = pltpu.async_copy(
                order_hbm.at[idx_bufs[s]], row_bufs[s], gsems[s])
            if k >= depth:
                p = (k - depth) % nbuf
                gathers[p].wait()
                stores[p] = pltpu.async_copy(
                    row_bufs[p],
                    out_hbm.at[pl.ds(base + (k - depth) * chunk, chunk)],
                    osems[p])
        for k in range(max(n_chunks - depth, 0), n_chunks):
            p = k % nbuf
            gathers[p].wait()
            stores[p] = pltpu.async_copy(
                row_bufs[p], out_hbm.at[pl.ds(base + k * chunk, chunk)],
                osems[p])
        for st in stores:
            if st is not None:
                st.wait()

    return sc_gather


def kernel(noise, order):
    n, ncols = order.shape
    b = noise.shape[0]
    flat_idx = _flat_indices(noise, n, ncols).reshape(-1)
    order_flat = order.reshape(-1)
    total = b * ncols
    out_flat = _make_sc_gather(total, 8192)(order_flat, flat_idx)
    return out_flat.reshape(b, ncols)

# --- scband reference (transcript-rebuilt; emitter-appended) ---
"""Pipeline reference for scband-cdf-26697516712237 (READ-ONLY COPY).

The authoritative reference and input builder live on the scoring server;
editing this copy changes nothing except your own understanding.
"""

import jax, jax.numpy as jnp
import numpy as np

N_TRAIN = 100000
N_DIM = 128
BATCH = 16384


def setup_inputs(seed: int = 0) -> dict:
    key = jax.random.key(seed)
    k1, k2 = jax.random.split(key)
    noise = jax.random.normal(k1, (BATCH, N_DIM), dtype=jnp.float32)
    # self.order: the per-dimension sorted training data (materialized parameter)
    raw = jax.random.normal(k2, (N_TRAIN, N_DIM), dtype=jnp.float32)
    order = jnp.sort(raw, axis=0)
    return {"noise": noise, "order": order}


def reference(noise, order):
    # Faithful translation of CDF.sample:
    #   unif = Normal(0,1).cdf(noise)
    #   idx  = floor(unif * len(order))
    #   out[i, j] = order[idx[i, j], j]
    n = order.shape[0]
    unif = 0.5 * (1.0 + jax.lax.erf(noise / jnp.sqrt(jnp.asarray(2.0, dtype=noise.dtype))))
    idx = jnp.floor(unif * n).astype(jnp.int32)
    # per-column gather: order[idx[i,j], j]
    out = jnp.take_along_axis(order, idx, axis=0)
    return out

if __name__ == "__main__":
    import jax
    _d = setup_inputs()
    print(jax.jit(kernel)(*tuple(_d.values())))

</pallas_src>

<mosaic_0001>
#map = affine_map<(d0, d1) -> (0)>
module attributes {stable_mosaic.version = 14 : i64} {
  func.func @sc_gather(%arg0: i32, %arg1: i32, %arg2: memref<12800000xf32, #tpu.memory_space<hbm>>, %arg3: memref<2097152xi32, #tpu.memory_space<hbm>>, %arg4: memref<2097152xf32, #tpu.memory_space<hbm>>, %arg5: memref<8192xi32, #tpu.memory_space<vmem>>, %arg6: memref<8192xi32, #tpu.memory_space<vmem>>, %arg7: memref<8192xi32, #tpu.memory_space<vmem>>, %arg8: memref<8192xi32, #tpu.memory_space<vmem>>, %arg9: memref<8192xf32, #tpu.memory_space<vmem>>, %arg10: memref<8192xf32, #tpu.memory_space<vmem>>, %arg11: memref<8192xf32, #tpu.memory_space<vmem>>, %arg12: memref<8192xf32, #tpu.memory_space<vmem>>, %arg13: memref<!tpu.dma_semaphore, #tpu.memory_space<semaphore_mem>>, %arg14: memref<!tpu.dma_semaphore, #tpu.memory_space<semaphore_mem>>, %arg15: memref<!tpu.dma_semaphore, #tpu.memory_space<semaphore_mem>>, %arg16: memref<!tpu.dma_semaphore, #tpu.memory_space<semaphore_mem>>, %arg17: memref<!tpu.dma_semaphore, #tpu.memory_space<semaphore_mem>>, %arg18: memref<!tpu.dma_semaphore, #tpu.memory_space<semaphore_mem>>, %arg19: memref<!tpu.dma_semaphore, #tpu.memory_space<semaphore_mem>>, %arg20: memref<!tpu.dma_semaphore, #tpu.memory_space<semaphore_mem>>) attributes {dimension_semantics = [#tpu.dimension_semantics<core_parallel>, #tpu.dimension_semantics<subcore_parallel>], iteration_bounds = array<i64: 2, 16>, scalar_prefetch = 0 : i64, scratch_operands = 16 : i64, tpu.core_type = #tpu.core_type<sc_vector_subcore>, window_params = [{transform_indices = #map}, {transform_indices = #map}, {transform_indices = #map}]} {
    %mul3A = arith.constant 2 : i32
    %mul3A_0 = arith.muli %arg1, %mul3A : i32
    %add3A = arith.addi %mul3A_0, %arg0 : i32
    %mul3A_1 = arith.constant 65536 : i32
    %mul3A_2 = arith.muli %add3A, %mul3A_1 : i32
    %add3A_3 = arith.constant 0 : i32
    %add3A_4 = arith.addi %mul3A_2, %add3A_3 : i32
    "tpu.region"() ({
      %run_scoped3A = tpu.sem_alloc : memref<!tpu.dma_semaphore, #tpu.memory_space<semaphore_mem>>
      %dma_start3A_97 = tpu.memref_slice %arg3[%add3A_4] : memref<2097152xi32, #tpu.memory_space<hbm>> -> memref<8192xi32, #tpu.memory_space<hbm>>
      %dma_start3A_98 = tpu.memref_slice %arg3[%add3A_4] : memref<2097152xi32, #tpu.memory_space<hbm>> -> memref<8192xi32, #tpu.memory_space<hbm>>
      tpu.enqueue_dma source(%dma_start3A_98 : memref<8192xi32, #tpu.memory_space<hbm>>) target(%arg5 : memref<8192xi32, #tpu.memory_space<vmem>>) target_semaphore(%run_scoped3A : memref<!tpu.dma_semaphore, #tpu.memory_space<semaphore_mem>>)
      %dma_wait3A_99 = tpu.memref_slice %arg3[%add3A_4] : memref<2097152xi32, #tpu.memory_space<hbm>> -> memref<8192xi32, #tpu.memory_space<hbm>>
      %dma_wait3A_100 = tpu.memref_slice %arg3[%add3A_4] : memref<2097152xi32, #tpu.memory_space<hbm>> -> memref<8192xi32, #tpu.memory_space<hbm>>
      tpu.wait_dma2 semaphore(%run_scoped3A : memref<!tpu.dma_semaphore, #tpu.memory_space<semaphore_mem>>) src(%dma_wait3A_100 : memref<8192xi32, #tpu.memory_space<hbm>>) dst(%arg5 : memref<8192xi32, #tpu.memory_space<vmem>>)
      tpu.yield
    }) : () -> ()
    %dma_start3A = arith.constant 0 : i32
    %dma_start3A_5 = tpu.memref_slice %arg2[%dma_start3A] : memref<12800000xf32, #tpu.memory_space<hbm>> -> memref<12800000xf32, #tpu.memory_space<hbm>>
    tpu.enqueue_indirect_dma source(%dma_start3A_5 : memref<12800000xf32, #tpu.memory_space<hbm>>) target(%arg9 : memref<8192xf32, #tpu.memory_space<vmem>>) offsets(%arg5 : memref<8192xi32, #tpu.memory_space<vmem>>) semaphore(%arg13 : memref<!tpu.dma_semaphore, #tpu.memory_space<semaphore_mem>>)
    %add3A_6 = arith.constant 8192 : i32
    %add3A_7 = arith.addi %mul3A_2, %add3A_6 : i32
    "tpu.region"() ({
      %run_scoped3A = tpu.sem_alloc : memref<!tpu.dma_semaphore, #tpu.memory_space<semaphore_mem>>
      %dma_start3A_97 = tpu.memref_slice %arg3[%add3A_7] : memref<2097152xi32, #tpu.memory_space<hbm>> -> memref<8192xi32, #tpu.memory_space<hbm>>
      %dma_start3A_98 = tpu.memref_slice %arg3[%add3A_7] : memref<2097152xi32, #tpu.memory_space<hbm>> -> memref<8192xi32, #tpu.memory_space<hbm>>
      tpu.enqueue_dma source(%dma_start3A_98 : memref<8192xi32, #tpu.memory_space<hbm>>) target(%arg6 : memref<8192xi32, #tpu.memory_space<vmem>>) target_semaphore(%run_scoped3A : memref<!tpu.dma_semaphore, #tpu.memory_space<semaphore_mem>>)
      %dma_wait3A_99 = tpu.memref_slice %arg3[%add3A_7] : memref<2097152xi32, #tpu.memory_space<hbm>> -> memref<8192xi32, #tpu.memory_space<hbm>>
      %dma_wait3A_100 = tpu.memref_slice %arg3[%add3A_7] : memref<2097152xi32, #tpu.memory_space<hbm>> -> memref<8192xi32, #tpu.memory_space<hbm>>
      tpu.wait_dma2 semaphore(%run_scoped3A : memref<!tpu.dma_semaphore, #tpu.memory_space<semaphore_mem>>) src(%dma_wait3A_100 : memref<8192xi32, #tpu.memory_space<hbm>>) dst(%arg6 : memref<8192xi32, #tpu.memory_space<vmem>>)
      tpu.yield
    }) : () -> ()
    %dma_start3A_8 = arith.constant 0 : i32
    %dma_start3A_9 = tpu.memref_slice %arg2[%dma_start3A_8] : memref<12800000xf32, #tpu.memory_space<hbm>> -> memref<12800000xf32, #tpu.memory_space<hbm>>
    tpu.enqueue_indirect_dma source(%dma_start3A_9 : memref<12800000xf32, #tpu.memory_space<hbm>>) target(%arg10 : memref<8192xf32, #tpu.memory_space<vmem>>) offsets(%arg6 : memref<8192xi32, #tpu.memory_space<vmem>>) semaphore(%arg14 : memref<!tpu.dma_semaphore, #tpu.memory_space<semaphore_mem>>)
    %add3A_10 = arith.constant 16384 : i32
    %add3A_11 = arith.addi %mul3A_2, %add3A_10 : i32
    "tpu.region"() ({
      %run_scoped3A = tpu.sem_alloc : memref<!tpu.dma_semaphore, #tpu.memory_space<semaphore_mem>>
      %dma_start3A_97 = tpu.memref_slice %arg3[%add3A_11] : memref<2097152xi32, #tpu.memory_space<hbm>> -> memref<8192xi32, #tpu.memory_space<hbm>>
      %dma_start3A_98 = tpu.memref_slice %arg3[%add3A_11] : memref<2097152xi32, #tpu.memory_space<hbm>> -> memref<8192xi32, #tpu.memory_space<hbm>>
      tpu.enqueue_dma source(%dma_start3A_98 : memref<8192xi32, #tpu.memory_space<hbm>>) target(%arg7 : memref<8192xi32, #tpu.memory_space<vmem>>) target_semaphore(%run_scoped3A : memref<!tpu.dma_semaphore, #tpu.memory_space<semaphore_mem>>)
      %dma_wait3A_99 = tpu.memref_slice %arg3[%add3A_11] : memref<2097152xi32, #tpu.memory_space<hbm>> -> memref<8192xi32, #tpu.memory_space<hbm>>
      %dma_wait3A_100 = tpu.memref_slice %arg3[%add3A_11] : memref<2097152xi32, #tpu.memory_space<hbm>> -> memref<8192xi32, #tpu.memory_space<hbm>>
      tpu.wait_dma2 semaphore(%run_scoped3A : memref<!tpu.dma_semaphore, #tpu.memory_space<semaphore_mem>>) src(%dma_wait3A_100 : memref<8192xi32, #tpu.memory_space<hbm>>) dst(%arg7 : memref<8192xi32, #tpu.memory_space<vmem>>)
      tpu.yield
    }) : () -> ()
    %dma_start3A_12 = arith.constant 0 : i32
    %dma_start3A_13 = tpu.memref_slice %arg2[%dma_start3A_12] : memref<12800000xf32, #tpu.memory_space<hbm>> -> memref<12800000xf32, #tpu.memory_space<hbm>>
    tpu.enqueue_indirect_dma source(%dma_start3A_13 : memref<12800000xf32, #tpu.memory_space<hbm>>) target(%arg11 : memref<8192xf32, #tpu.memory_space<vmem>>) offsets(%arg7 : memref<8192xi32, #tpu.memory_space<vmem>>) semaphore(%arg15 : memref<!tpu.dma_semaphore, #tpu.memory_space<semaphore_mem>>)
    %dma_wait3A = arith.constant 0 : i32
    %dma_wait3A_14 = tpu.memref_slice %arg2[%dma_wait3A] : memref<12800000xf32, #tpu.memory_space<hbm>> -> memref<12800000xf32, #tpu.memory_space<hbm>>
    tpu.wait_indirect_dma semaphore(%arg13 : memref<!tpu.dma_semaphore, #tpu.memory_space<semaphore_mem>>) src(%dma_wait3A_14 : memref<12800000xf32, #tpu.memory_space<hbm>>) dst(%arg9 : memref<8192xf32, #tpu.memory_space<vmem>>)
    %add3A_15 = arith.constant 0 : i32
    %add3A_16 = arith.addi %mul3A_2, %add3A_15 : i32
    %dma_start3A_17 = tpu.memref_slice %arg4[%add3A_16] : memref<2097152xf32, #tpu.memory_space<hbm>> -> memref<8192xf32, #tpu.memory_space<hbm>>
    %dma_start3A_18 = tpu.memref_slice %arg4[%add3A_16] : memref<2097152xf32, #tpu.memory_space<hbm>> -> memref<8192xf32, #tpu.memory_space<hbm>>
    tpu.enqueue_dma source(%arg9 : memref<8192xf32, #tpu.memory_space<vmem>>) target(%dma_start3A_18 : memref<8192xf32, #tpu.memory_space<hbm>>) target_semaphore(%arg17 : memref<!tpu.dma_semaphore, #tpu.memory_space<semaphore_mem>>)
    %add3A_19 = arith.constant 24576 : i32
    %add3A_20 = arith.addi %mul3A_2, %add3A_19 : i32
    "tpu.region"() ({
      %run_scoped3A = tpu.sem_alloc : memref<!tpu.dma_semaphore, #tpu.memory_space<semaphore_mem>>
      %dma_start3A_97 = tpu.memref_slice %arg3[%add3A_20] : memref<2097152xi32, #tpu.memory_space<hbm>> -> memref<8192xi32, #tpu.memory_space<hbm>>
      %dma_start3A_98 = tpu.memref_slice %arg3[%add3A_20] : memref<2097152xi32, #tpu.memory_space<hbm>> -> memref<8192xi32, #tpu.memory_space<hbm>>
      tpu.enqueue_dma source(%dma_start3A_98 : memref<8192xi32, #tpu.memory_space<hbm>>) target(%arg8 : memref<8192xi32, #tpu.memory_space<vmem>>) target_semaphore(%run_scoped3A : memref<!tpu.dma_semaphore, #tpu.memory_space<semaphore_mem>>)
      %dma_wait3A_99 = tpu.memref_slice %arg3[%add3A_20] : memref<2097152xi32, #tpu.memory_space<hbm>> -> memref<8192xi32, #tpu.memory_space<hbm>>
      %dma_wait3A_100 = tpu.memref_slice %arg3[%add3A_20] : memref<2097152xi32, #tpu.memory_space<hbm>> -> memref<8192xi32, #tpu.memory_space<hbm>>
      tpu.wait_dma2 semaphore(%run_scoped3A : memref<!tpu.dma_semaphore, #tpu.memory_space<semaphore_mem>>) src(%dma_wait3A_100 : memref<8192xi32, #tpu.memory_space<hbm>>) dst(%arg8 : memref<8192xi32, #tpu.memory_space<vmem>>)
      tpu.yield
    }) : () -> ()
    %dma_start3A_21 = arith.constant 0 : i32
    %dma_start3A_22 = tpu.memref_slice %arg2[%dma_start3A_21] : memref<12800000xf32, #tpu.memory_space<hbm>> -> memref<12800000xf32, #tpu.memory_space<hbm>>
    tpu.enqueue_indirect_dma source(%dma_start3A_22 : memref<12800000xf32, #tpu.memory_space<hbm>>) target(%arg12 : memref<8192xf32, #tpu.memory_space<vmem>>) offsets(%arg8 : memref<8192xi32, #tpu.memory_space<vmem>>) semaphore(%arg16 : memref<!tpu.dma_semaphore, #tpu.memory_space<semaphore_mem>>)
    %dma_wait3A_23 = arith.constant 0 : i32
    %dma_wait3A_24 = tpu.memref_slice %arg2[%dma_wait3A_23] : memref<12800000xf32, #tpu.memory_space<hbm>> -> memref<12800000xf32, #tpu.memory_space<hbm>>
    tpu.wait_indirect_dma semaphore(%arg14 : memref<!tpu.dma_semaphore, #tpu.memory_space<semaphore_mem>>) src(%dma_wait3A_24 : memref<12800000xf32, #tpu.memory_space<hbm>>) dst(%arg10 : memref<8192xf32, #tpu.memory_space<vmem>>)
    %add3A_25 = arith.constant 8192 : i32
    %add3A_26 = arith.addi %mul3A_2, %add3A_25 : i32
    %dma_start3A_27 = tpu.memref_slice %arg4[%add3A_26] : memref<2097152xf32, #tpu.memory_space<hbm>> -> memref<8192xf32, #tpu.memory_space<hbm>>
    %dma_start3A_28 = tpu.memref_slice %arg4[%add3A_26] : memref<2097152xf32, #tpu.memory_space<hbm>> -> memref<8192xf32, #tpu.memory_space<hbm>>
    tpu.enqueue_dma source(%arg10 : memref<8192xf32, #tpu.memory_space<vmem>>) target(%dma_start3A_28 : memref<8192xf32, #tpu.memory_space<hbm>>) target_semaphore(%arg18 : memref<!tpu.dma_semaphore, #tpu.memory_space<semaphore_mem>>)
    %dma_wait3A_29 = tpu.memref_slice %arg4[%add3A_16] : memref<2097152xf32, #tpu.memory_space<hbm>> -> memref<8192xf32, #tpu.memory_space<hbm>>
    %dma_wait3A_30 = tpu.memref_slice %arg4[%add3A_16] : memref<2097152xf32, #tpu.memory_space<hbm>> -> memref<8192xf32, #tpu.memory_space<hbm>>
    tpu.wait_dma2 semaphore(%arg17 : memref<!tpu.dma_semaphore, #tpu.memory_space<semaphore_mem>>) src(%arg9 : memref<8192xf32, #tpu.memory_space<vmem>>) dst(%dma_wait3A_30 : memref<8192xf32, #tpu.memory_space<hbm>>)
    %add3A_31 = arith.constant 32768 : i32
    %add3A_32 = arith.addi %mul3A_2, %add3A_31 : i32
    "tpu.region"() ({
      %run_scoped3A = tpu.sem_alloc : memref<!tpu.dma_semaphore, #tpu.memory_space<semaphore_mem>>
      %dma_start3A_97 = tpu.memref_slice %arg3[%add3A_32] : memref<2097152xi32, #tpu.memory_space<hbm>> -> memref<8192xi32, #tpu.memory_space<hbm>>
      %dma_start3A_98 = tpu.memref_slice %arg3[%add3A_32] : memref<2097152xi32, #tpu.memory_space<hbm>> -> memref<8192xi32, #tpu.memory_space<hbm>>
      tpu.enqueue_dma source(%dma_start3A_98 : memref<8192xi32, #tpu.memory_space<hbm>>) target(%arg5 : memref<8192xi32, #tpu.memory_space<vmem>>) target_semaphore(%run_scoped3A : memref<!tpu.dma_semaphore, #tpu.memory_space<semaphore_mem>>)
      %dma_wait3A_99 = tpu.memref_slice %arg3[%add3A_32] : memref<2097152xi32, #tpu.memory_space<hbm>> -> memref<8192xi32, #tpu.memory_space<hbm>>
      %dma_wait3A_100 = tpu.memref_slice %arg3[%add3A_32] : memref<2097152xi32, #tpu.memory_space<hbm>> -> memref<8192xi32, #tpu.memory_space<hbm>>
      tpu.wait_dma2 semaphore(%run_scoped3A : memref<!tpu.dma_semaphore, #tpu.memory_space<semaphore_mem>>) src(%dma_wait3A_100 : memref<8192xi32, #tpu.memory_space<hbm>>) dst(%arg5 : memref<8192xi32, #tpu.memory_space<vmem>>)
      tpu.yield
    }) : () -> ()
    %dma_start3A_33 = arith.constant 0 : i32
    %dma_start3A_34 = tpu.memref_slice %arg2[%dma_start3A_33] : memref<12800000xf32, #tpu.memory_space<hbm>> -> memref<12800000xf32, #tpu.memory_space<hbm>>
    tpu.enqueue_indirect_dma source(%dma_start3A_34 : memref<12800000xf32, #tpu.memory_space<hbm>>) target(%arg9 : memref<8192xf32, #tpu.memory_space<vmem>>) offsets(%arg5 : memref<8192xi32, #tpu.memory_space<vmem>>) semaphore(%arg13 : memref<!tpu.dma_semaphore, #tpu.memory_space<semaphore_mem>>)
    %dma_wait3A_35 = arith.constant 0 : i32
    %dma_wait3A_36 = tpu.memref_slice %arg2[%dma_wait3A_35] : memref<12800000xf32, #tpu.memory_space<hbm>> -> memref<12800000xf32, #tpu.memory_space<hbm>>
    tpu.wait_indirect_dma semaphore(%arg15 : memref<!tpu.dma_semaphore, #tpu.memory_space<semaphore_mem>>) src(%dma_wait3A_36 : memref<12800000xf32, #tpu.memory_space<hbm>>) dst(%arg11 : memref<8192xf32, #tpu.memory_space<vmem>>)
    %add3A_37 = arith.constant 16384 : i32
    %add3A_38 = arith.addi %mul3A_2, %add3A_37 : i32
    %dma_start3A_39 = tpu.memref_slice %arg4[%add3A_38] : memref<2097152xf32, #tpu.memory_space<hbm>> -> memref<8192xf32, #tpu.memory_space<hbm>>
    %dma_start3A_40 = tpu.memref_slice %arg4[%add3A_38] : memref<2097152xf32, #tpu.memory_space<hbm>> -> memref<8192xf32, #tpu.memory_space<hbm>>
    tpu.enqueue_dma source(%arg11 : memref<8192xf32, #tpu.memory_space<vmem>>) target(%dma_start3A_40 : memref<8192xf32, #tpu.memory_space<hbm>>) target_semaphore(%arg19 : memref<!tpu.dma_semaphore, #tpu.memory_space<semaphore_mem>>)
    %dma_wait3A_41 = tpu.memref_slice %arg4[%add3A_26] : memref<2097152xf32, #tpu.memory_space<hbm>> -> memref<8192xf32, #tpu.memory_space<hbm>>
    %dma_wait3A_42 = tpu.memref_slice %arg4[%add3A_26] : memref<2097152xf32, #tpu.memory_space<hbm>> -> memref<8192xf32, #tpu.memory_space<hbm>>
    tpu.wait_dma2 semaphore(%arg18 : memref<!tpu.dma_semaphore, #tpu.memory_space<semaphore_mem>>) src(%arg10 : memref<8192xf32, #tpu.memory_space<vmem>>) dst(%dma_wait3A_42 : memref<8192xf32, #tpu.memory_space<hbm>>)
    %add3A_43 = arith.constant 40960 : i32
    %add3A_44 = arith.addi %mul3A_2, %add3A_43 : i32
    "tpu.region"() ({
      %run_scoped3A = tpu.sem_alloc : memref<!tpu.dma_semaphore, #tpu.memory_space<semaphore_mem>>
      %dma_start3A_97 = tpu.memref_slice %arg3[%add3A_44] : memref<2097152xi32, #tpu.memory_space<hbm>> -> memref<8192xi32, #tpu.memory_space<hbm>>
      %dma_start3A_98 = tpu.memref_slice %arg3[%add3A_44] : memref<2097152xi32, #tpu.memory_space<hbm>> -> memref<8192xi32, #tpu.memory_space<hbm>>
      tpu.enqueue_dma source(%dma_start3A_98 : memref<8192xi32, #tpu.memory_space<hbm>>) target(%arg6 : memref<8192xi32, #tpu.memory_space<vmem>>) target_semaphore(%run_scoped3A : memref<!tpu.dma_semaphore, #tpu.memory_space<semaphore_mem>>)
      %dma_wait3A_99 = tpu.memref_slice %arg3[%add3A_44] : memref<2097152xi32, #tpu.memory_space<hbm>> -> memref<8192xi32, #tpu.memory_space<hbm>>
      %dma_wait3A_100 = tpu.memref_slice %arg3[%add3A_44] : memref<2097152xi32, #tpu.memory_space<hbm>> -> memref<8192xi32, #tpu.memory_space<hbm>>
      tpu.wait_dma2 semaphore(%run_scoped3A : memref<!tpu.dma_semaphore, #tpu.memory_space<semaphore_mem>>) src(%dma_wait3A_100 : memref<8192xi32, #tpu.memory_space<hbm>>) dst(%arg6 : memref<8192xi32, #tpu.memory_space<vmem>>)
      tpu.yield
    }) : () -> ()
    %dma_start3A_45 = arith.constant 0 : i32
    %dma_start3A_46 = tpu.memref_slice %arg2[%dma_start3A_45] : memref<12800000xf32, #tpu.memory_space<hbm>> -> memref<12800000xf32, #tpu.memory_space<hbm>>
    tpu.enqueue_indirect_dma source(%dma_start3A_46 : memref<12800000xf32, #tpu.memory_space<hbm>>) target(%arg10 : memref<8192xf32, #tpu.memory_space<vmem>>) offsets(%arg6 : memref<8192xi32, #tpu.memory_space<vmem>>) semaphore(%arg14 : memref<!tpu.dma_semaphore, #tpu.memory_space<semaphore_mem>>)
    %dma_wait3A_47 = arith.constant 0 : i32
    %dma_wait3A_48 = tpu.memref_slice %arg2[%dma_wait3A_47] : memref<12800000xf32, #tpu.memory_space<hbm>> -> memref<12800000xf32, #tpu.memory_space<hbm>>
    tpu.wait_indirect_dma semaphore(%arg16 : memref<!tpu.dma_semaphore, #tpu.memory_space<semaphore_mem>>) src(%dma_wait3A_48 : memref<12800000xf32, #tpu.memory_space<hbm>>) dst(%arg12 : memref<8192xf32, #tpu.memory_space<vmem>>)
    %add3A_49 = arith.constant 24576 : i32
    %add3A_50 = arith.addi %mul3A_2, %add3A_49 : i32
    %dma_start3A_51 = tpu.memref_slice %arg4[%add3A_50] : memref<2097152xf32, #tpu.memory_space<hbm>> -> memref<8192xf32, #tpu.memory_space<hbm>>
    %dma_start3A_52 = tpu.memref_slice %arg4[%add3A_50] : memref<2097152xf32, #tpu.memory_space<hbm>> -> memref<8192xf32, #tpu.memory_space<hbm>>
    tpu.enqueue_dma source(%arg12 : memref<8192xf32, #tpu.memory_space<vmem>>) target(%dma_start3A_52 : memref<8192xf32, #tpu.memory_space<hbm>>) target_semaphore(%arg20 : memref<!tpu.dma_semaphore, #tpu.memory_space<semaphore_mem>>)
    %dma_wait3A_53 = tpu.memref_slice %arg4[%add3A_38] : memref<2097152xf32, #tpu.memory_space<hbm>> -> memref<8192xf32, #tpu.memory_space<hbm>>
    %dma_wait3A_54 = tpu.memref_slice %arg4[%add3A_38] : memref<2097152xf32, #tpu.memory_space<hbm>> -> memref<8192xf32, #tpu.memory_space<hbm>>
    tpu.wait_dma2 semaphore(%arg19 : memref<!tpu.dma_semaphore, #tpu.memory_space<semaphore_mem>>) src(%arg11 : memref<8192xf32, #tpu.memory_space<vmem>>) dst(%dma_wait3A_54 : memref<8192xf32, #tpu.memory_space<hbm>>)
    %add3A_55 = arith.constant 49152 : i32
    %add3A_56 = arith.addi %mul3A_2, %add3A_55 : i32
    "tpu.region"() ({
      %run_scoped3A = tpu.sem_alloc : memref<!tpu.dma_semaphore, #tpu.memory_space<semaphore_mem>>
      %dma_start3A_97 = tpu.memref_slice %arg3[%add3A_56] : memref<2097152xi32, #tpu.memory_space<hbm>> -> memref<8192xi32, #tpu.memory_space<hbm>>
      %dma_start3A_98 = tpu.memref_slice %arg3[%add3A_56] : memref<2097152xi32, #tpu.memory_space<hbm>> -> memref<8192xi32, #tpu.memory_space<hbm>>
      tpu.enqueue_dma source(%dma_start3A_98 : memref<8192xi32, #tpu.memory_space<hbm>>) target(%arg7 : memref<8192xi32, #tpu.memory_space<vmem>>) target_semaphore(%run_scoped3A : memref<!tpu.dma_semaphore, #tpu.memory_space<semaphore_mem>>)
      %dma_wait3A_99 = tpu.memref_slice %arg3[%add3A_56] : memref<2097152xi32, #tpu.memory_space<hbm>> -> memref<8192xi32, #tpu.memory_space<hbm>>
      %dma_wait3A_100 = tpu.memref_slice %arg3[%add3A_56] : memref<2097152xi32, #tpu.memory_space<hbm>> -> memref<8192xi32, #tpu.memory_space<hbm>>
      tpu.wait_dma2 semaphore(%run_scoped3A : memref<!tpu.dma_semaphore, #tpu.memory_space<semaphore_mem>>) src(%dma_wait3A_100 : memref<8192xi32, #tpu.memory_space<hbm>>) dst(%arg7 : memref<8192xi32, #tpu.memory_space<vmem>>)
      tpu.yield
    }) : () -> ()
    %dma_start3A_57 = arith.constant 0 : i32
    %dma_start3A_58 = tpu.memref_slice %arg2[%dma_start3A_57] : memref<12800000xf32, #tpu.memory_space<hbm>> -> memref<12800000xf32, #tpu.memory_space<hbm>>
    tpu.enqueue_indirect_dma source(%dma_start3A_58 : memref<12800000xf32, #tpu.memory_space<hbm>>) target(%arg11 : memref<8192xf32, #tpu.memory_space<vmem>>) offsets(%arg7 : memref<8192xi32, #tpu.memory_space<vmem>>) semaphore(%arg15 : memref<!tpu.dma_semaphore, #tpu.memory_space<semaphore_mem>>)
    %dma_wait3A_59 = arith.constant 0 : i32
    %dma_wait3A_60 = tpu.memref_slice %arg2[%dma_wait3A_59] : memref<12800000xf32, #tpu.memory_space<hbm>> -> memref<12800000xf32, #tpu.memory_space<hbm>>
    tpu.wait_indirect_dma semaphore(%arg13 : memref<!tpu.dma_semaphore, #tpu.memory_space<semaphore_mem>>) src(%dma_wait3A_60 : memref<12800000xf32, #tpu.memory_space<hbm>>) dst(%arg9 : memref<8192xf32, #tpu.memory_space<vmem>>)
    %add3A_61 = arith.constant 32768 : i32
    %add3A_62 = arith.addi %mul3A_2, %add3A_61 : i32
    %dma_start3A_63 = tpu.memref_slice %arg4[%add3A_62] : memref<2097152xf32, #tpu.memory_space<hbm>> -> memref<8192xf32, #tpu.memory_space<hbm>>
    %dma_start3A_64 = tpu.memref_slice %arg4[%add3A_62] : memref<2097152xf32, #tpu.memory_space<hbm>> -> memref<8192xf32, #tpu.memory_space<hbm>>
    tpu.enqueue_dma source(%arg9 : memref<8192xf32, #tpu.memory_space<vmem>>) target(%dma_start3A_64 : memref<8192xf32, #tpu.memory_space<hbm>>) target_semaphore(%arg17 : memref<!tpu.dma_semaphore, #tpu.memory_space<semaphore_mem>>)
    %dma_wait3A_65 = tpu.memref_slice %arg4[%add3A_50] : memref<2097152xf32, #tpu.memory_space<hbm>> -> memref<8192xf32, #tpu.memory_space<hbm>>
    %dma_wait3A_66 = tpu.memref_slice %arg4[%add3A_50] : memref<2097152xf32, #tpu.memory_space<hbm>> -> memref<8192xf32, #tpu.memory_space<hbm>>
    tpu.wait_dma2 semaphore(%arg20 : memref<!tpu.dma_semaphore, #tpu.memory_space<semaphore_mem>>) src(%arg12 : memref<8192xf32, #tpu.memory_space<vmem>>) dst(%dma_wait3A_66 : memref<8192xf32, #tpu.memory_space<hbm>>)
    %add3A_67 = arith.constant 57344 : i32
    %add3A_68 = arith.addi %mul3A_2, %add3A_67 : i32
    "tpu.region"() ({
      %run_scoped3A = tpu.sem_alloc : memref<!tpu.dma_semaphore, #tpu.memory_space<semaphore_mem>>
      %dma_start3A_97 = tpu.memref_slice %arg3[%add3A_68] : memref<2097152xi32, #tpu.memory_space<hbm>> -> memref<8192xi32, #tpu.memory_space<hbm>>
      %dma_start3A_98 = tpu.memref_slice %arg3[%add3A_68] : memref<2097152xi32, #tpu.memory_space<hbm>> -> memref<8192xi32, #tpu.memory_space<hbm>>
      tpu.enqueue_dma source(%dma_start3A_98 : memref<8192xi32, #tpu.memory_space<hbm>>) target(%arg8 : memref<8192xi32, #tpu.memory_space<vmem>>) target_semaphore(%run_scoped3A : memref<!tpu.dma_semaphore, #tpu.memory_space<semaphore_mem>>)
      %dma_wait3A_99 = tpu.memref_slice %arg3[%add3A_68] : memref<2097152xi32, #tpu.memory_space<hbm>> -> memref<8192xi32, #tpu.memory_space<hbm>>
      %dma_wait3A_100 = tpu.memref_slice %arg3[%add3A_68] : memref<2097152xi32, #tpu.memory_space<hbm>> -> memref<8192xi32, #tpu.memory_space<hbm>>
      tpu.wait_dma2 semaphore(%run_scoped3A : memref<!tpu.dma_semaphore, #tpu.memory_space<semaphore_mem>>) src(%dma_wait3A_100 : memref<8192xi32, #tpu.memory_space<hbm>>) dst(%arg8 : memref<8192xi32, #tpu.memory_space<vmem>>)
      tpu.yield
    }) : () -> ()
    %dma_start3A_69 = arith.constant 0 : i32
    %dma_start3A_70 = tpu.memref_slice %arg2[%dma_start3A_69] : memref<12800000xf32, #tpu.memory_space<hbm>> -> memref<12800000xf32, #tpu.memory_space<hbm>>
    tpu.enqueue_indirect_dma source(%dma_start3A_70 : memref<12800000xf32, #tpu.memory_space<hbm>>) target(%arg12 : memref<8192xf32, #tpu.memory_space<vmem>>) offsets(%arg8 : memref<8192xi32, #tpu.memory_space<vmem>>) semaphore(%arg16 : memref<!tpu.dma_semaphore, #tpu.memory_space<semaphore_mem>>)
    %dma_wait3A_71 = arith.constant 0 : i32
    %dma_wait3A_72 = tpu.memref_slice %arg2[%dma_wait3A_71] : memref<12800000xf32, #tpu.memory_space<hbm>> -> memref<12800000xf32, #tpu.memory_space<hbm>>
    tpu.wait_indirect_dma semaphore(%arg14 : memref<!tpu.dma_semaphore, #tpu.memory_space<semaphore_mem>>) src(%dma_wait3A_72 : memref<12800000xf32, #tpu.memory_space<hbm>>) dst(%arg10 : memref<8192xf32, #tpu.memory_space<vmem>>)
    %add3A_73 = arith.constant 40960 : i32
    %add3A_74 = arith.addi %mul3A_2, %add3A_73 : i32
    %dma_start3A_75 = tpu.memref_slice %arg4[%add3A_74] : memref<2097152xf32, #tpu.memory_space<hbm>> -> memref<8192xf32, #tpu.memory_space<hbm>>
    %dma_start3A_76 = tpu.memref_slice %arg4[%add3A_74] : memref<2097152xf32, #tpu.memory_space<hbm>> -> memref<8192xf32, #tpu.memory_space<hbm>>
    tpu.enqueue_dma source(%arg10 : memref<8192xf32, #tpu.memory_space<vmem>>) target(%dma_start3A_76 : memref<8192xf32, #tpu.memory_space<hbm>>) target_semaphore(%arg18 : memref<!tpu.dma_semaphore, #tpu.memory_space<semaphore_mem>>)
    %dma_wait3A_77 = arith.constant 0 : i32
    %dma_wait3A_78 = tpu.memref_slice %arg2[%dma_wait3A_77] : memref<12800000xf32, #tpu.memory_space<hbm>> -> memref<12800000xf32, #tpu.memory_space<hbm>>
    tpu.wait_indirect_dma semaphore(%arg15 : memref<!tpu.dma_semaphore, #tpu.memory_space<semaphore_mem>>) src(%dma_wait3A_78 : memref<12800000xf32, #tpu.memory_space<hbm>>) dst(%arg11 : memref<8192xf32, #tpu.memory_space<vmem>>)
    %add3A_79 = arith.constant 49152 : i32
    %add3A_80 = arith.addi %mul3A_2, %add3A_79 : i32
    %dma_start3A_81 = tpu.memref_slice %arg4[%add3A_80] : memref<2097152xf32, #tpu.memory_space<hbm>> -> memref<8192xf32, #tpu.memory_space<hbm>>
    %dma_start3A_82 = tpu.memref_slice %arg4[%add3A_80] : memref<2097152xf32, #tpu.memory_space<hbm>> -> memref<8192xf32, #tpu.memory_space<hbm>>
    tpu.enqueue_dma source(%arg11 : memref<8192xf32, #tpu.memory_space<vmem>>) target(%dma_start3A_82 : memref<8192xf32, #tpu.memory_space<hbm>>) target_semaphore(%arg19 : memref<!tpu.dma_semaphore, #tpu.memory_space<semaphore_mem>>)
    %dma_wait3A_83 = arith.constant 0 : i32
    %dma_wait3A_84 = tpu.memref_slice %arg2[%dma_wait3A_83] : memref<12800000xf32, #tpu.memory_space<hbm>> -> memref<12800000xf32, #tpu.memory_space<hbm>>
    tpu.wait_indirect_dma semaphore(%arg16 : memref<!tpu.dma_semaphore, #tpu.memory_space<semaphore_mem>>) src(%dma_wait3A_84 : memref<12800000xf32, #tpu.memory_space<hbm>>) dst(%arg12 : memref<8192xf32, #tpu.memory_space<vmem>>)
    %add3A_85 = arith.constant 57344 : i32
    %add3A_86 = arith.addi %mul3A_2, %add3A_85 : i32
    %dma_start3A_87 = tpu.memref_slice %arg4[%add3A_86] : memref<2097152xf32, #tpu.memory_space<hbm>> -> memref<8192xf32, #tpu.memory_space<hbm>>
    %dma_start3A_88 = tpu.memref_slice %arg4[%add3A_86] : memref<2097152xf32, #tpu.memory_space<hbm>> -> memref<8192xf32, #tpu.memory_space<hbm>>
    tpu.enqueue_dma source(%arg12 : memref<8192xf32, #tpu.memory_space<vmem>>) target(%dma_start3A_88 : memref<8192xf32, #tpu.memory_space<hbm>>) target_semaphore(%arg20 : memref<!tpu.dma_semaphore, #tpu.memory_space<semaphore_mem>>)
    %dma_wait3A_89 = tpu.memref_slice %arg4[%add3A_62] : memref<2097152xf32, #tpu.memory_space<hbm>> -> memref<8192xf32, #tpu.memory_space<hbm>>
    %dma_wait3A_90 = tpu.memref_slice %arg4[%add3A_62] : memref<2097152xf32, #tpu.memory_space<hbm>> -> memref<8192xf32, #tpu.memory_space<hbm>>
    tpu.wait_dma2 semaphore(%arg17 : memref<!tpu.dma_semaphore, #tpu.memory_space<semaphore_mem>>) src(%arg9 : memref<8192xf32, #tpu.memory_space<vmem>>) dst(%dma_wait3A_90 : memref<8192xf32, #tpu.memory_space<hbm>>)
    %dma_wait3A_91 = tpu.memref_slice %arg4[%add3A_74] : memref<2097152xf32, #tpu.memory_space<hbm>> -> memref<8192xf32, #tpu.memory_space<hbm>>
    %dma_wait3A_92 = tpu.memref_slice %arg4[%add3A_74] : memref<2097152xf32, #tpu.memory_space<hbm>> -> memref<8192xf32, #tpu.memory_space<hbm>>
    tpu.wait_dma2 semaphore(%arg18 : memref<!tpu.dma_semaphore, #tpu.memory_space<semaphore_mem>>) src(%arg10 : memref<8192xf32, #tpu.memory_space<vmem>>) dst(%dma_wait3A_92 : memref<8192xf32, #tpu.memory_space<hbm>>)
    %dma_wait3A_93 = tpu.memref_slice %arg4[%add3A_80] : memref<2097152xf32, #tpu.memory_space<hbm>> -> memref<8192xf32, #tpu.memory_space<hbm>>
    %dma_wait3A_94 = tpu.memref_slice %arg4[%add3A_80] : memref<2097152xf32, #tpu.memory_space<hbm>> -> memref<8192xf32, #tpu.memory_space<hbm>>
    tpu.wait_dma2 semaphore(%arg19 : memref<!tpu.dma_semaphore, #tpu.memory_space<semaphore_mem>>) src(%arg11 : memref<8192xf32, #tpu.memory_space<vmem>>) dst(%dma_wait3A_94 : memref<8192xf32, #tpu.memory_space<hbm>>)
    %dma_wait3A_95 = tpu.memref_slice %arg4[%add3A_86] : memref<2097152xf32, #tpu.memory_space<hbm>> -> memref<8192xf32, #tpu.memory_space<hbm>>
    %dma_wait3A_96 = tpu.memref_slice %arg4[%add3A_86] : memref<2097152xf32, #tpu.memory_space<hbm>> -> memref<8192xf32, #tpu.memory_space<hbm>>
    tpu.wait_dma2 semaphore(%arg20 : memref<!tpu.dma_semaphore, #tpu.memory_space<semaphore_mem>>) src(%arg12 : memref<8192xf32, #tpu.memory_space<vmem>>) dst(%dma_wait3A_96 : memref<8192xf32, #tpu.memory_space<hbm>>)
    return
  }
}

module attributes {stable_mosaic.version = 14 : i64} {
  func.func @_idx_body(%arg0: i32, %arg1: memref<8192x128xf32, #tpu.memory_space<vmem>>, %arg2: memref<8192x128xi32, #tpu.memory_space<vmem>>) attributes {dimension_semantics = [#tpu.dimension_semantics<arbitrary>], iteration_bounds = array<i64: 2>, scalar_prefetch = 0 : i64, scratch_operands = 0 : i64, tpu.core_type = #tpu.core_type<tc>, window_params = [{transform_indices = @transform_0, window_bounds = array<i64: 8192, 128>}, {transform_indices = @transform_1, window_bounds = array<i64: 8192, 128>}]} {
    %get3A = arith.constant 0 : index
    %get3A_0 = arith.constant 0 : index
    %get3A_1 = vector.load %arg1[%get3A, %get3A_0] : memref<8192x128xf32, #tpu.memory_space<vmem>>, vector<8192x128xf32>
    %sqrt3A = arith.constant 2.000000e+00 : f32
    %sqrt3A_2 = math.sqrt %sqrt3A : f32
    %div3A = vector.broadcast %sqrt3A_2 : f32 to vector<8192x128xf32>
    %div3A_3 = arith.divf %get3A_1, %div3A : vector<8192x128xf32>
    %erf3A = math.erf %div3A_3 : vector<8192x128xf32>
    %add3A = arith.constant 1.000000e+00 : f32
    %add3A_4 = vector.broadcast %add3A : f32 to vector<8192x128xf32>
    %add3A_5 = arith.addf %add3A_4, %erf3A : vector<8192x128xf32>
    %mul3A = arith.constant 5.000000e-01 : f32
    %mul3A_6 = vector.broadcast %mul3A : f32 to vector<8192x128xf32>
    %mul3A_7 = arith.mulf %mul3A_6, %add3A_5 : vector<8192x128xf32>
    %mul3A_8 = arith.constant 1.000000e+05 : f32
    %mul3A_9 = vector.broadcast %mul3A_8 : f32 to vector<8192x128xf32>
    %mul3A_10 = arith.mulf %mul3A_7, %mul3A_9 : vector<8192x128xf32>
    %floor3A = math.floor %mul3A_10 : vector<8192x128xf32>
    %convert_element_type3A = arith.fptosi %floor3A : vector<8192x128xf32> to vector<8192x128xi32>
    %min3A = arith.constant 99999 : i32
    %min3A_11 = vector.broadcast %min3A : i32 to vector<8192x128xi32>
    %min3A_12 = arith.minsi %convert_element_type3A, %min3A_11 : vector<8192x128xi32>
    %iota3A = tpu.iota {dimensions = array<i32: 1>} : vector<8192x128xi32>
    %mul3A_13 = arith.constant 128 : i32
    %mul3A_14 = vector.broadcast %mul3A_13 : i32 to vector<8192x128xi32>
    %mul3A_15 = arith.muli %min3A_12, %mul3A_14 : vector<8192x128xi32>
    %add3A_16 = arith.addi %mul3A_15, %iota3A : vector<8192x128xi32>
    %swap3A = arith.constant 0 : index
    %swap3A_17 = arith.constant 0 : index
    %swap3A_18 = vector.load %arg2[%swap3A, %swap3A_17] : memref<8192x128xi32, #tpu.memory_space<vmem>>, vector<8192x128xi32>
    tpu.vector_store %arg2[%swap3A, %swap3A_17], %add3A_16 {strides = array<i32>} : memref<8192x128xi32, #tpu.memory_space<vmem>>, vector<8192x128xi32>,
    return
  }
  func.func @transform_0(%arg0: i32) -> (i32, i32) {
    %c0_i32 = arith.constant 0 : i32
    %c0_i32_0 = arith.constant 0 : i32
    return %arg0, %c0_i32 : i32, i32
  }
  func.func @transform_1(%arg0: i32) -> (i32, i32) {
    %c0_i32 = arith.constant 0 : i32
    %c0_i32_0 = arith.constant 0 : i32
    return %arg0, %c0_i32 : i32, i32
  }
}

</mosaic_0001>

<sc_bundles>
// kernel: kernel.4.cloned.1.call-start
scs
__scs_entry_jumppad:
0x0: {  	(pc) =	sbr.rel $0x88, $3  }
0x1: {  	(tag) =	ssettag $0x0;
	lr =	simm.s32 $0x1  }
0x2: {  	[smem:$0x3F9F] =	sst lr;
	_ =	strace $0xD0000000  }
0x3: {  	_ = 	snop  }
0x4: {  	_ = 	snop  }
0x5: {  	_ = 	snop  }
0x6: {  	_ = 	snop  }
0x7: {  	_ = 	snop  }
__scs_overlays_trampoline_lowered:
0x8: {  	[smem:$0x3FAE] =	sst s0  }
0x9: {  	[smem:$0x3FAF] =	sst s1  }
0xa: {  	[smem:$0x3FB0] =	sst s2  }
0xb: {  	[smem:$0x3FB1] =	sst s3  }
0xc: {  	[smem:$0x3FB2] =	sst s4  }
0xd: {  	[smem:$0x3FB3] =	sst s5  }
0xe: {  	[smem:$0x3FB4] =	sst s6  }
0xf: {  	[smem:$0x3FB5] =	sst s7  }
0x10: {  	[smem:$0x3FB6] =	sst s8  }
0x11: {  	[smem:$0x3FB7] =	sst s9;
	s0 =	simm.s32 @!p0 $0x0  }
0x12: {  	s1 =	sld [smem:$0x3F9D];
	s0 =	simm.s32 @p0 $0x1  }
0x13: {  	[smem:$0x3FB8] =	sst s0;
	s0 =	simm.s32 @!p1 $0x0  }
0x14: {  	s2 =	sld [smem:$0x3F9C];
	s0 =	simm.s32 @p1 $0x1  }
0x15: {  	[smem:$0x3FB9] =	sst s0;
	s0 =	simm.s32 @!p2 $0x0  }
0x16: {  	s3 =	sld [smem:$0x3FDB];
	s0 =	simm.s32 @p2 $0x1  }
0x17: {  	s4 =	simm.s32 $0x1BF5;
	[smem:$0x3FBB] =	sst s0  }
0x18: {  	s0 =	sld [smem:$0x3F9E];
	_ =	swait.ge [sflag:s4], $0x0  }
0x19: {  	s7 =	sld [smem:$0x3F9F]  }
0x1a: {  	s8 =	sadd.s32 $0xFFFFE003, lr  }
0x1b: {  	s9 =	sadd.s32 $0xFFFFFEF7, lr;
	s5 =	simm.s32 $0xFFFFFFFF;
	p2 =	slt.u32 s8, $0xFFFFF086  }
0x1c: {  	p1 =	slt.u32 s9, $0xF7A;
	s5 =	simm.s32 @!p2 $0x0  }
0x1d: {  	s5 =	simm.s32 @p1 $0x1;
	p0 =	seq.s32 s7, s2  }
0x1e: {  	s7 =	smul.u32 @!p0 $0xF7A, s2;
	p2 =	seq.s32 @!p0 s5, $0x0  }
0x1f: {  	s9 =	smul.u32 $0xF7A, s1;
	s8 =	simm.s32 @!p0 $0x1BF5;
	p2 =	por !p2, p0  }
0x20: {  	[sflag:s8] =	ssyncset.s32 @!p0 $0xFFFFF086;
	s6 =	sadd.s32 @!p0 s3, s7;
	s7 =	simm.s32 @!p0 $0x108  }
0x21: {  	s3 =	sadd.s32 s3, s9;
	s6 =	sadd.s32 @!p0 $0x88, s6;
	s7 =	simm.s32 @p2 $0x1082  }
0x22: {  	[simem:s7], [sflag:s8] =	dma.local @!p0 [hbm:s6], $0xF7A  }
0x23: {  	s9 =	sor.u32 $0xD0000000, s2;
	s6 =	simm.s32 $0x108;
	_ =	swait.ge @!p0 [sflag:s8], $0x0  }
0x24: {  	s3 =	sadd.s32 $0x88, s3;
	s6 =	simm.s32 @!p1 $0x1082;
	[sflag:s4] =	ssyncset.s32 $0xFFFFF086  }
0x25: {  	[simem:s6], [sflag:s4] =	dma.local [hbm:s3], $0xF7A  }
0x26: {  	[smem:$0x3F9F] =	sst s1;
	(tag) =	ssettag s2;
	_ =	strace s9  }
0x27: {  	s1 =	sld [smem:$0x3FAF]  }
0x28: {  	s2 =	sld [smem:$0x3FB0]  }
0x29: {  	s4 =	sld [smem:$0x3FB2]  }
0x2a: {  	p0 =	seq.s32 s5, $0x0;
	s5 =	sld [smem:$0x3FB3]  }
0x2b: {  	s6 =	sld [smem:$0x3FB4]  }
0x2c: {  	s7 =	sld [smem:$0x3FB5]  }
0x2d: {  	s3 =	simm.s32 $0x108;
	s8 =	sld [smem:$0x3FB6]  }
0x2e: {  	s3 =	simm.s32 @!p0 $0x1082;
	s9 =	sld [smem:$0x3FB7]  }
0x2f: {  	lr =	sadd.s32 s0, s3;
	s0 =	sld [smem:$0x3FAE]  }
0x30: {  	s3 =	sld [smem:$0x3FB1]  }
0x31: {  	[smem:$0x3FBA] =	sst s10  }
0x32: {  	s10 =	sld [smem:$0x3FB8];
	_ =	sdelay $0x3  }
0x33: {  	p0 =	seq.s32 s10, $0x1;
	s10 =	sld [smem:$0x3FBA];
	_ =	sdelay $0x3  }
0x34: {  	[smem:$0x3FBA] =	sst s10  }
0x35: {  	s10 =	sld [smem:$0x3FB9];
	_ =	sdelay $0x3  }
0x36: {  	p1 =	seq.s32 s10, $0x1;
	s10 =	sld [smem:$0x3FBA];
	_ =	sdelay $0x3  }
0x37: {  	[smem:$0x3FBA] =	sst s10  }
0x38: {  	s10 =	sld [smem:$0x3FBB]  }
0x39: {  	_ = 	snop;
	(pc) =	sbr.ind lr, $3  }
0x3a: {  	_ = 	snop  }
0x3b: {  	_ = 	snop  }
0x3c: {  	p2 =	seq.s32 s10, $0x1;
	s10 =	sld [smem:$0x3FBA]  }
0x3d: {  	_ =	shalt  }
0x3e: {  	_ =	shalt  }
0x3f: {  	_ =	shalt  }
0x40: {  	_ =	shalt  }
0x41: {  	_ =	shalt  }
0x42: {  	_ =	shalt  }
0x43: {  	_ =	shalt  }
0x44: {  	_ =	shalt  }
0x45: {  	_ =	shalt  }
0x46: {  	_ =	shalt  }
0x47: {  	_ =	shalt  }
0x48: {  	_ =	shalt  }
0x49: {  	_ =	shalt  }
0x4a: {  	_ =	shalt  }
0x4b: {  	_ =	shalt  }
0x4c: {  	_ =	shalt  }
0x4d: {  	_ =	shalt  }
0x4e: {  	_ =	shalt  }
0x4f: {  	_ =	shalt  }
0x50: {  	_ =	shalt  }
0x51: {  	_ =	shalt  }
0x52: {  	_ =	shalt  }
0x53: {  	_ =	shalt  }
0x54: {  	_ =	shalt  }
0x55: {  	_ =	shalt  }
0x56: {  	_ =	shalt  }
0x57: {  	_ =	shalt  }
0x58: {  	_ =	shalt  }
0x59: {  	_ =	shalt  }
0x5a: {  	_ =	shalt  }
0x5b: {  	_ =	shalt  }
0x5c: {  	_ =	shalt  }
0x5d: {  	_ =	shalt  }
0x5e: {  	_ =	shalt  }
0x5f: {  	_ =	shalt  }
0x60: {  	_ =	shalt  }
0x61: {  	_ =	shalt  }
0x62: {  	_ =	shalt  }
0x63: {  	_ =	shalt  }
0x64: {  	_ =	shalt  }
0x65: {  	_ =	shalt  }
0x66: {  	_ =	shalt  }
0x67: {  	_ =	shalt  }
0x68: {  	_ =	shalt  }
0x69: {  	_ =	shalt  }
0x6a: {  	_ =	shalt  }
0x6b: {  	_ =	shalt  }
0x6c: {  	_ =	shalt  }
0x6d: {  	_ =	shalt  }
0x6e: {  	_ =	shalt  }
0x6f: {  	_ =	shalt  }
0x70: {  	_ =	shalt  }
0x71: {  	_ =	shalt  }
0x72: {  	_ =	shalt  }
0x73: {  	_ =	shalt  }
0x74: {  	_ =	shalt  }
0x75: {  	_ =	shalt  }
0x76: {  	_ =	shalt  }
0x77: {  	_ =	shalt  }
0x78: {  	_ =	shalt  }
0x79: {  	_ =	shalt  }
0x7a: {  	_ =	shalt  }
0x7b: {  	_ =	shalt  }
0x7c: {  	_ =	shalt  }
0x7d: {  	_ =	shalt  }
0x7e: {  	_ =	shalt  }
0x7f: {  	_ =	shalt  }
0x80: {  	_ =	shalt  }
0x81: {  	_ =	shalt  }
0x82: {  	_ =	shalt  }
0x83: {  	_ =	shalt  }
0x84: {  	_ =	shalt  }
0x85: {  	_ =	shalt  }
0x86: {  	_ =	shalt  }
0x87: {  	_ =	shalt  }
.Lfunc_end0:
.L_simem_size_0:
called_computation_lowered:
.L_overlay_start_0:
0x88: {  	s2 =	sld [smem:$0x3FD9]  }
0x89: {  	s3 =	sld [smem:$0x3FFE];
	_ =	sdelay $0x1  }
0x8a: {  	s1 =	srdreg.scid  }
0x8b: {  	s0 =	sand.u32 $0x1, s1  }
0x8c: {  	s17 =	sshll.u32 s0, $0xA;
	s2 =	sadd.s32 s3, s2  }
0x8d: {  	s2 =	sadd.s32 s2, s17  }
0x8e: {  	[smem:$0x3FC6] =	sst s2  }
0x8f: {  	_ = 	snop  }
0x90: {  	s2 =	sld [smem:$0x3FC8]  }
0x91: {  	s18 =	sld [smem:$0x3FD0];
	(tm) =	ssettm $0x1  }
0x92: {  	s4 =	sld [smem:$0x3FFB];
	_ =	sdelay $0x3  }
0x93: {  	_ =	strace s4  }
0x94: {  	s4 =	sld [smem:$0x3FFC];
	_ =	sdelay $0x3  }
0x95: {  	_ =	strace s4  }
0x96: {  	s4 =	sld [smem:$0x3FFD];
	_ =	sdelay $0x3  }
0x97: {  	_ =	strace s4  }
0x98: {  	_ =	strace $0x8FFFFFFF  }
0x99: {  	s19 =	sld [smem:$0x3FDB];
	_ =	sdelay $0x1  }
0x9a: {  	s5 =	simm.s32 $_scs_section_size  }
0x9b: {  	s6 =	simm.s32 $_size__tile_overlayer_lowered;
	s7 =	simm.s32 $_tile_overlayer_lowered  }
0x9c: {  	s22 =	simm.s32 $0x1BFF;
	s21 =	sshll.u32 s7, $0x1;
	s4 =	sadd.s32 s5, s19  }
0x9d: {  	s8 =	simm.s32 $0x0;
	s20 =	sshll.u32 s6, $0x1;
	s6 =	sadd.s32 s21, s4  }
0x9e: {  	[timem:s8], [sflag:s22] =	dma.local [hbm:s6], s20  }
0x9f: {  	_ =	swait.ge [sflag:s22], s20  }
0xa0: {  	s5 =	ssub.s32 $0x0, s20;
	[sflag:s22] =	ssyncset.done $0x0  }
0xa1: {  	[sflag:s22] =	ssyncadd.s32 s5;
	_ =	sdelay $0x1  }
0xa2: {  	s23 =	simm.s32 $0x1B8B  }
0xa3: {  	_ =	swait.ge [sflag:s23], $0x1  }
0xa4: {  	[sflag:s23] =	ssyncset.done $0x0  }
0xa5: {  	s25 =	simm.s32 $0x1B8E;
	s24 =	sld [smem:$0x3FFE];
	[sflag:s23] =	ssyncadd.s32 $0xFFFFFFFF  }
0xa6: {  	s26 =	simm.s32 $execute0_lowered;
	[smem:$0x3FD2] =	sst s25  }
0xa7: {  	s6 =	sshll.u32 s26, $0x1;
	_ =	strace $0x80000046;
	[dreg:$0x1] =	wrdreg $0xFFFFFFFF  }
0xa8: {  	s28 =	simm.s32 $_size_execute0_lowered;
	s4 =	sadd.s32 s4, s6;
	[dreg:$0x0] =	wrdreg $0x0  }
0xa9: {  	s6 =	sshll.u32 s28, $0x1;
	[dreg:$0x2] =	wrdreg s4  }
0xaa: {  	[dreg:$0x3] =	wrdreg s6  }
0xab: {  	[dreg:$0x4] =	wrdreg $0xC0  }
0xac: {  	_ =	task [dreg:s8], $0x5FFFF  }
0xad: {  	[dreg:$0x1] =	wrdreg $0xFFFFFFFF  }
0xae: {  	[dreg:$0x0] =	wrdreg $0x60  }
0xaf: {  	[dreg:$0x2] =	wrdreg s2  }
0xb0: {  	[dreg:$0x3] =	wrdreg s24  }
0xb1: {  	[dreg:$0x4] =	wrdreg s18  }
0xb2: {  	[dreg:$0x5] =	wrdreg $0x9  }
0xb3: {  	_ =	task.clear_ibuf [dreg:s8], $0x6FFFF;
	_ =	strace $0x90000046  }
0xb4: {  	s29 =	simm.s32 $0x9;
	_ =	strace $0x80000048  }
0xb5: {  	_ =	swait.ge [sflag:s29], $0x1  }
0xb6: {  	[sflag:s29] =	ssyncadd.s32 $0xFFFFFFFF  }
0xb7: {  	_ =	strace $0x90000048  }
0xb8: {  	_ =	sfence  }
0xb9: {  	s30 =	sld [smem:$0x0];
	_ =	sdelay $0x2  }
0xba: {  	s31 =	sshll.u32 s1, $0xD;
	s1 =	sshrl.u32 s1, $0x2  }
0xbb: {  	s3 =	sand.u32 $0x4000, s31;
	s1 =	sadd.s32 s1, s30  }
0xbc: {  	s0 =	sor.u32 s3, s0;
	s1 =	sshll.u32 s1, $0x11  }
0xbd: {  	s0 =	sor.u32 s1, s0  }
0xbe: {  	s0 =	sadd.s32 $0x8F2B, s0  }
0xbf: {  	[sflag:s0] =	ssyncadd.remote.s32 $0x1  }
0xc0: {  	_ =	sfence.sel $0xFFFF  }
0xc1: {  	[dreg:$0x0] =	wrdreg $0xFFFFFFFF;
	(pc) =	sbr.abs _section_cstart, $3  }
0xc2: {  	[dreg:$0x1] =	wrdreg $0xFFFFFFFF  }
0xc3: {  	_ =	task.clear_ibuf [dreg:s8], $0x2FFFF;
	_ =	strace $0x9FFFFFFF  }
0xc4: {  	(tm) =	ssettm $0x7FFFFFFF  }
0xc5: {  	_ =	shalt  }
tec
execute0_lowered:
.L_overlay_start_1:
0x0: {  	(tag) =	ssettag $0x1  }
0x1: {  	s2 =	rddreg [dreg:$0x0]  }
0x2: {  	s4 =	rddreg [dreg:$0x1];
	s0 =	srdreg.scid  }
0x3: {  	s1 =	stileid.u32;
	s3 =	simm.s32 $0x0;
	s0 =	sand.u32 $0x1, s0  }
0x4: {  	s5 =	sshll.u32 s1, $0xE;
	[smem:$0x7FF] =	sst s3;
	s6 =	sshll.u32 s0, $0xD  }
0x5: {  	s28 =	sadd.s32 $0x800, s4;
	[dreg:$0xa] =	wrdreg s0;
	s29 =	sor.u32 s6, s5  }
0x6: {  	s31 =	rddreg [dreg:$0x2];
	_ =	strace $0x80000047;
	s4 =	sadd.s32 s28, s29  }
0x7: {  	s14 =	sor.u32 $0x400, s29;
	s23 =	sadd.s32 s31, s29;
	[dreg:$0x4] =	wrdreg s4  }
0x8: {  	s18 =	sor.u32 $0x800, s29;
	s21 =	sadd.s32 s28, s14;
	[dreg:$0x7] =	wrdreg s23  }
0x9: {  	s22 =	sadd.s32 s28, s18;
	[dreg:$0x5] =	wrdreg s21  }
0xa: {  	[dreg:$0x6] =	wrdreg s22;
	s22 =	sor.u32 $0xC00, s29  }
0xb: {  	s24 =	rddreg [dreg:$0x4];
	s25 =	sadd.s32 s28, s22  }
0xc: {  	[tilespmem:s3], [sflag:$0x9] =	stream.linear.gather [hbm4b:s24+s3], $0x2000, $0x38;
	[tilespmem:$0x10000] =	vst v63  }
0xd: {  	s4 =	simm.s32 $0x9;
	[dreg:$0x8] =	wrdreg s25  }
0xe: {  	_ =	swait.ge [sflag:s4], $0x2000  }
0xf: {  	[sflag:s4] =	ssyncset.done $0x0  }
0x10: {  	s5 =	simm.s32 $0x2000;
	s6 =	simm.s32 $0x8000;
	[sflag:s4] =	ssyncadd.s32 $0xFFFFE000  }
0x11: {  	[tilespmem:s6], [sflag:$0x1] =	stream.indirect.gather [hbm4b:s2+s5], $0x1, s3, s5, $0xb8;
	[tilespmem:$0x10000] =	vst v63  }
0x12: {  	s7 =	rddreg [dreg:$0x5]  }
0x13: {  	[tilespmem:s5], [sflag:$0x9] =	stream.linear.gather [hbm4b:s7+s3], $0x2000, $0x38;
	[tilespmem:$0x10000] =	vst v63  }
0x14: {  	_ =	swait.ge [sflag:s4], $0x2000  }
0x15: {  	[sflag:s4] =	ssyncset.done $0x0  }
0x16: {  	s7 =	simm.s32 $0xA000;
	[sflag:s4] =	ssyncadd.s32 $0xFFFFE000  }
0x17: {  	[tilespmem:s7], [sflag:$0x2] =	stream.indirect.gather [hbm4b:s2+s5], $0x1, s5, s5, $0xb8;
	[tilespmem:$0x10000] =	vst v63  }
0x18: {  	s8 =	simm.s32 $0x4000;
	s9 =	rddreg [dreg:$0x6]  }
0x19: {  	[tilespmem:s8], [sflag:$0x9] =	stream.linear.gather [hbm4b:s9+s3], $0x2000, $0x38;
	[tilespmem:$0x10000] =	vst v63  }
0x1a: {  	_ =	swait.ge [sflag:s4], $0x2000  }
0x1b: {  	[sflag:s4] =	ssyncset.done $0x0  }
0x1c: {  	s10 =	simm.s32 $0x1;
	s9 =	simm.s32 $0xC000;
	[sflag:s4] =	ssyncadd.s32 $0xFFFFE000  }
0x1d: {  	[tilespmem:s9], [sflag:$0x3] =	stream.indirect.gather [hbm4b:s2+s5], $0x1, s8, s5, $0xb8;
	[tilespmem:$0x10000] =	vst v63  }
0x1e: {  	_ =	swait.ge [sflag:s10], $0x2000  }
0x1f: {  	[sflag:s10] =	ssyncset.done $0x0  }
0x20: {  	s11 =	rddreg [dreg:$0x7];
	[sflag:s10] =	ssyncadd.s32 $0xFFFFE000  }
0x21: {  	[hbm4b:s11+s3] =	stream.linear.scatter [tilespmem:s6], [sflag:$0x5], $0x2000, $0x38;
	[tilespmem:$0x10000] =	vst v63  }
0x22: {  	s12 =	rddreg [dreg:$0x8];
	s11 =	simm.s32 $0x6000  }
0x23: {  	[tilespmem:s11], [sflag:$0x9] =	stream.linear.gather [hbm4b:s12+s3], $0x2000, $0x38;
	[tilespmem:$0x10000] =	vst v63  }
0x24: {  	_ =	swait.ge [sflag:s4], $0x2000  }
0x25: {  	[sflag:s4] =	ssyncset.done $0x0  }
0x26: {  	s13 =	simm.s32 $0x2;
	s12 =	simm.s32 $0xE000;
	[sflag:s4] =	ssyncadd.s32 $0xFFFFE000  }
0x27: {  	[tilespmem:s12], [sflag:$0x4] =	stream.indirect.gather [hbm4b:s2+s5], $0x1, s11, s5, $0xb8;
	[tilespmem:$0x10000] =	vst v63  }
0x28: {  	_ =	swait.ge [sflag:s13], $0x2000  }
0x29: {  	s26 =	sadd.s32 s31, s14;
	[sflag:s13] =	ssyncset.done $0x0  }
0x2a: {  	s15 =	simm.s32 $0x5;
	[dreg:$0x9] =	wrdreg s26;
	[sflag:s13] =	ssyncadd.s32 $0xFFFFE000  }
0x2b: {  	[hbm4b:s26+s3] =	stream.linear.scatter [tilespmem:s7], [sflag:$0x6], $0x2000, $0x38;
	[tilespmem:$0x10000] =	vst v63  }
0x2c: {  	_ =	swait.ge [sflag:s15], $0x2000  }
0x2d: {  	s25 =	sor.u32 $0x1000, s29;
	[sflag:s15] =	ssyncset.done $0x0  }
0x2e: {  	s16 =	sadd.s32 s28, s25;
	[sflag:s15] =	ssyncadd.s32 $0xFFFFE000  }
0x2f: {  	[tilespmem:s3], [sflag:$0x9] =	stream.linear.gather [hbm4b:s16+s3], $0x2000, $0x38;
	[tilespmem:$0x10000] =	vst v63  }
0x30: {  	_ =	swait.ge [sflag:s4], $0x2000  }
0x31: {  	[sflag:s4] =	ssyncset.done $0x0  }
0x32: {  	s17 =	simm.s32 $0x3;
	[sflag:s4] =	ssyncadd.s32 $0xFFFFE000  }
0x33: {  	[tilespmem:s6], [sflag:$0x1] =	stream.indirect.gather [hbm4b:s2+s5], $0x1, s3, s5, $0xb8;
	[tilespmem:$0x10000] =	vst v63  }
0x34: {  	_ =	swait.ge [sflag:s17], $0x2000  }
0x35: {  	[sflag:s17] =	ssyncset.done $0x0  }
0x36: {  	s19 =	simm.s32 $0x6;
	s18 =	sadd.s32 s31, s18;
	[sflag:s17] =	ssyncadd.s32 $0xFFFFE000  }
0x37: {  	[hbm4b:s18+s3] =	stream.linear.scatter [tilespmem:s9], [sflag:$0x7], $0x2000, $0x38;
	[tilespmem:$0x10000] =	vst v63  }
0x38: {  	_ =	swait.ge [sflag:s19], $0x2000  }
0x39: {  	s30 =	sor.u32 $0x1400, s29;
	[sflag:s19] =	ssyncset.done $0x0  }
0x3a: {  	s20 =	sadd.s32 s28, s30;
	[sflag:s19] =	ssyncadd.s32 $0xFFFFE000  }
0x3b: {  	[tilespmem:s5], [sflag:$0x9] =	stream.linear.gather [hbm4b:s20+s3], $0x2000, $0x38;
	[tilespmem:$0x10000] =	vst v63  }
0x3c: {  	_ =	swait.ge [sflag:s4], $0x2000  }
0x3d: {  	[sflag:s4] =	ssyncset.done $0x0  }
0x3e: {  	s21 =	simm.s32 $0x4;
	[sflag:s4] =	ssyncadd.s32 $0xFFFFE000  }
0x3f: {  	[tilespmem:s7], [sflag:$0x2] =	stream.indirect.gather [hbm4b:s2+s5], $0x1, s5, s5, $0xb8;
	[tilespmem:$0x10000] =	vst v63  }
0x40: {  	_ =	swait.ge [sflag:s21], $0x2000  }
0x41: {  	[sflag:s21] =	ssyncset.done $0x0  }
0x42: {  	s23 =	simm.s32 $0x7;
	s22 =	sadd.s32 s31, s22;
	[sflag:s21] =	ssyncadd.s32 $0xFFFFE000  }
0x43: {  	[hbm4b:s22+s3] =	stream.linear.scatter [tilespmem:s12], [sflag:$0x8], $0x2000, $0x38;
	[tilespmem:$0x10000] =	vst v63  }
0x44: {  	_ =	swait.ge [sflag:s23], $0x2000  }
0x45: {  	s0 =	sor.u32 $0x1800, s29;
	[sflag:s23] =	ssyncset.done $0x0  }
0x46: {  	s24 =	sadd.s32 s28, s0;
	[sflag:s23] =	ssyncadd.s32 $0xFFFFE000  }
0x47: {  	[tilespmem:s8], [sflag:$0x9] =	stream.linear.gather [hbm4b:s24+s3], $0x2000, $0x38;
	[tilespmem:$0x10000] =	vst v63  }
0x48: {  	_ =	swait.ge [sflag:s4], $0x2000  }
0x49: {  	[sflag:s4] =	ssyncset.done $0x0  }
0x4a: {  	[sflag:s4] =	ssyncadd.s32 $0xFFFFE000  }
0x4b: {  	[tilespmem:s9], [sflag:$0x3] =	stream.indirect.gather [hbm4b:s2+s5], $0x1, s8, s5, $0xb8;
	[tilespmem:$0x10000] =	vst v63  }
0x4c: {  	_ =	swait.ge [sflag:s10], $0x2000  }
0x4d: {  	[sflag:s10] =	ssyncset.done $0x0  }
0x4e: {  	s25 =	sadd.s32 s31, s25;
	s26 =	simm.s32 $0x8;
	[sflag:s10] =	ssyncadd.s32 $0xFFFFE000  }
0x4f: {  	[hbm4b:s25+s3] =	stream.linear.scatter [tilespmem:s6], [sflag:$0x5], $0x2000, $0x38;
	[tilespmem:$0x10000] =	vst v63  }
0x50: {  	_ =	swait.ge [sflag:s26], $0x2000  }
0x51: {  	s14 =	sor.u32 $0x1C00, s29;
	[sflag:s26] =	ssyncset.done $0x0  }
0x52: {  	s28 =	sadd.s32 s28, s14;
	[sflag:s26] =	ssyncadd.s32 $0xFFFFE000  }
0x53: {  	[tilespmem:s11], [sflag:$0x9] =	stream.linear.gather [hbm4b:s28+s3], $0x2000, $0x38;
	[tilespmem:$0x10000] =	vst v63  }
0x54: {  	_ =	swait.ge [sflag:s4], $0x2000  }
0x55: {  	[sflag:s4] =	ssyncset.done $0x0  }
0x56: {  	[sflag:s4] =	ssyncadd.s32 $0xFFFFE000  }
0x57: {  	[tilespmem:s12], [sflag:$0x4] =	stream.indirect.gather [hbm4b:s2+s5], $0x1, s11, s5, $0xb8;
	[tilespmem:$0x10000] =	vst v63  }
0x58: {  	_ =	swait.ge [sflag:s13], $0x2000  }
0x59: {  	[sflag:s13] =	ssyncset.done $0x0  }
0x5a: {  	s29 =	sadd.s32 s31, s30;
	[sflag:s13] =	ssyncadd.s32 $0xFFFFE000  }
0x5b: {  	[hbm4b:s29+s3] =	stream.linear.scatter [tilespmem:s7], [sflag:$0x6], $0x2000, $0x38;
	[tilespmem:$0x10000] =	vst v63  }
0x5c: {  	_ =	swait.ge [sflag:s17], $0x2000  }
0x5d: {  	[sflag:s17] =	ssyncset.done $0x0  }
0x5e: {  	s30 =	sadd.s32 s31, s0;
	[sflag:s17] =	ssyncadd.s32 $0xFFFFE000  }
0x5f: {  	[hbm4b:s30+s3] =	stream.linear.scatter [tilespmem:s9], [sflag:$0x7], $0x2000, $0x38;
	[tilespmem:$0x10000] =	vst v63  }
0x60: {  	_ =	swait.ge [sflag:s21], $0x2000  }
0x61: {  	[sflag:s21] =	ssyncset.done $0x0  }
0x62: {  	s31 =	sadd.s32 s31, s14;
	[sflag:s21] =	ssyncadd.s32 $0xFFFFE000  }
0x63: {  	[hbm4b:s31+s3] =	stream.linear.scatter [tilespmem:s12], [sflag:$0x8], $0x2000, $0x38;
	[tilespmem:$0x10000] =	vst v63  }
0x64: {  	_ =	swait.ge [sflag:s15], $0x2000  }
0x65: {  	[sflag:s15] =	ssyncset.done $0x0  }
0x66: {  	[sflag:s15] =	ssyncadd.s32 $0xFFFFE000  }
0x67: {  	_ =	swait.ge [sflag:s19], $0x2000  }
0x68: {  	s1 =	rddreg [dreg:$0xa]  }
0x69: {  	s0 =	ssub.s32 $0x2, s1  }
0x6a: {  	s14 =	sshrl.u32 s0, $0x1  }
0x6b: {  	s0 =	ssub.s32 s0, s14  }
0x6c: {  	s0 =	smax.u32 s0, $0x1  }
0x6d: {  	[sflag:s19] =	ssyncset.done $0x0;
	p0 =	sne.s32 s0, $0x1  }
.Ltmp0:
0x6e: {  	[sflag:s19] =	ssyncadd.s32 $0xFFFFE000;
	(pc) =	sbr.rel @!p0 .LBB2_2-.Ltmp0, $4  }
0x6f: {  	_ =	swait.ge [sflag:s23], $0x2000  }
0x70: {  	[sflag:s23] =	ssyncset.done $0x0  }
0x71: {  	[sflag:s23] =	ssyncadd.s32 $0xFFFFE000  }
0x72: {  	s0 =	sadd.s32 $0xFFFFFFFF, s0;
	_ =	swait.ge [sflag:s26], $0x2000  }
.LBB2_1:
0x73: {  	[sflag:s26] =	ssyncset.done $0x0  }
0x74: {  	s1 =	rddreg [dreg:$0x4];
	[sflag:s26] =	ssyncadd.s32 $0xFFFFE000  }
0x75: {  	[tilespmem:s3], [sflag:$0x9] =	stream.linear.gather [hbm4b:s1+s3], $0x2000, $0x38;
	[tilespmem:$0x10000] =	vst v63  }
0x76: {  	_ =	swait.ge [sflag:s4], $0x2000  }
0x77: {  	[sflag:s4] =	ssyncset.done $0x0  }
0x78: {  	[sflag:s4] =	ssyncadd.s32 $0xFFFFE000  }
0x79: {  	[tilespmem:s6], [sflag:$0x1] =	stream.indirect.gather [hbm4b:s2+s5], $0x1, s3, s5, $0xb8;
	[tilespmem:$0x10000] =	vst v63  }
0x7a: {  	s14 =	rddreg [dreg:$0x5]  }
0x7b: {  	[tilespmem:s5], [sflag:$0x9] =	stream.linear.gather [hbm4b:s14+s3], $0x2000, $0x38;
	[tilespmem:$0x10000] =	vst v63  }
0x7c: {  	_ =	swait.ge [sflag:s4], $0x2000  }
0x7d: {  	[sflag:s4] =	ssyncset.done $0x0  }
0x7e: {  	[sflag:s4] =	ssyncadd.s32 $0xFFFFE000  }
0x7f: {  	[tilespmem:s7], [sflag:$0x2] =	stream.indirect.gather [hbm4b:s2+s5], $0x1, s5, s5, $0xb8;
	[tilespmem:$0x10000] =	vst v63  }
0x80: {  	s14 =	rddreg [dreg:$0x6]  }
0x81: {  	[tilespmem:s8], [sflag:$0x9] =	stream.linear.gather [hbm4b:s14+s3], $0x2000, $0x38;
	[tilespmem:$0x10000] =	vst v63  }
0x82: {  	_ =	swait.ge [sflag:s4], $0x2000  }
0x83: {  	[sflag:s4] =	ssyncset.done $0x0  }
0x84: {  	[sflag:s4] =	ssyncadd.s32 $0xFFFFE000  }
0x85: {  	[tilespmem:s9], [sflag:$0x3] =	stream.indirect.gather [hbm4b:s2+s5], $0x1, s8, s5, $0xb8;
	[tilespmem:$0x10000] =	vst v63  }
0x86: {  	_ =	swait.ge [sflag:s10], $0x2000  }
0x87: {  	[sflag:s10] =	ssyncset.done $0x0  }
0x88: {  	s1 =	rddreg [dreg:$0x7];
	[sflag:s10] =	ssyncadd.s32 $0xFFFFE000  }
0x89: {  	[hbm4b:s1+s3] =	stream.linear.scatter [tilespmem:s6], [sflag:$0x5], $0x2000, $0x38;
	[tilespmem:$0x10000] =	vst v63  }
0x8a: {  	s14 =	rddreg [dreg:$0x8]  }
0x8b: {  	[tilespmem:s11], [sflag:$0x9] =	stream.linear.gather [hbm4b:s14+s3], $0x2000, $0x38;
	[tilespmem:$0x10000] =	vst v63  }
0x8c: {  	_ =	swait.ge [sflag:s4], $0x2000  }
0x8d: {  	[sflag:s4] =	ssyncset.done $0x0  }
0x8e: {  	[sflag:s4] =	ssyncadd.s32 $0xFFFFE000  }
0x8f: {  	[tilespmem:s12], [sflag:$0x4] =	stream.indirect.gather [hbm4b:s2+s5], $0x1, s11, s5, $0xb8;
	[tilespmem:$0x10000] =	vst v63  }
0x90: {  	_ =	swait.ge [sflag:s13], $0x2000  }
0x91: {  	[sflag:s13] =	ssyncset.done $0x0  }
0x92: {  	s14 =	rddreg [dreg:$0x9];
	[sflag:s13] =	ssyncadd.s32 $0xFFFFE000  }
0x93: {  	[hbm4b:s14+s3] =	stream.linear.scatter [tilespmem:s7], [sflag:$0x6], $0x2000, $0x38;
	[tilespmem:$0x10000] =	vst v63  }
0x94: {  	_ =	swait.ge [sflag:s15], $0x2000  }
0x95: {  	[sflag:s15] =	ssyncset.done $0x0  }
0x96: {  	[sflag:s15] =	ssyncadd.s32 $0xFFFFE000  }
0x97: {  	[tilespmem:s3], [sflag:$0x9] =	stream.linear.gather [hbm4b:s16+s3], $0x2000, $0x38;
	[tilespmem:$0x10000] =	vst v63  }
0x98: {  	_ =	swait.ge [sflag:s4], $0x2000  }
0x99: {  	[sflag:s4] =	ssyncset.done $0x0  }
0x9a: {  	[sflag:s4] =	ssyncadd.s32 $0xFFFFE000  }
0x9b: {  	[tilespmem:s6], [sflag:$0x1] =	stream.indirect.gather [hbm4b:s2+s5], $0x1, s3, s5, $0xb8;
	[tilespmem:$0x10000] =	vst v63  }
0x9c: {  	_ =	swait.ge [sflag:s17], $0x2000  }
0x9d: {  	[sflag:s17] =	ssyncset.done $0x0  }
0x9e: {  	[sflag:s17] =	ssyncadd.s32 $0xFFFFE000  }
0x9f: {  	[hbm4b:s18+s3] =	stream.linear.scatter [tilespmem:s9], [sflag:$0x7], $0x2000, $0x38;
	[tilespmem:$0x10000] =	vst v63  }
0xa0: {  	_ =	swait.ge [sflag:s19], $0x2000  }
0xa1: {  	[sflag:s19] =	ssyncset.done $0x0  }
0xa2: {  	[sflag:s19] =	ssyncadd.s32 $0xFFFFE000  }
0xa3: {  	[tilespmem:s5], [sflag:$0x9] =	stream.linear.gather [hbm4b:s20+s3], $0x2000, $0x38;
	[tilespmem:$0x10000] =	vst v63  }
0xa4: {  	_ =	swait.ge [sflag:s4], $0x2000  }
0xa5: {  	[sflag:s4] =	ssyncset.done $0x0  }
0xa6: {  	[sflag:s4] =	ssyncadd.s32 $0xFFFFE000  }
0xa7: {  	[tilespmem:s7], [sflag:$0x2] =	stream.indirect.gather [hbm4b:s2+s5], $0x1, s5, s5, $0xb8;
	[tilespmem:$0x10000] =	vst v63  }
0xa8: {  	_ =	swait.ge [sflag:s21], $0x2000  }
0xa9: {  	[sflag:s21] =	ssyncset.done $0x0  }
0xaa: {  	[sflag:s21] =	ssyncadd.s32 $0xFFFFE000  }
0xab: {  	[hbm4b:s22+s3] =	stream.linear.scatter [tilespmem:s12], [sflag:$0x8], $0x2000, $0x38;
	[tilespmem:$0x10000] =	vst v63  }
0xac: {  	_ =	swait.ge [sflag:s23], $0x2000  }
0xad: {  	[sflag:s23] =	ssyncset.done $0x0  }
0xae: {  	[sflag:s23] =	ssyncadd.s32 $0xFFFFE000  }
0xaf: {  	[tilespmem:s8], [sflag:$0x9] =	stream.linear.gather [hbm4b:s24+s3], $0x2000, $0x38;
	[tilespmem:$0x10000] =	vst v63  }
0xb0: {  	_ =	swait.ge [sflag:s4], $0x2000  }
0xb1: {  	[sflag:s4] =	ssyncset.done $0x0  }
0xb2: {  	[sflag:s4] =	ssyncadd.s32 $0xFFFFE000  }
0xb3: {  	[tilespmem:s9], [sflag:$0x3] =	stream.indirect.gather [hbm4b:s2+s5], $0x1, s8, s5, $0xb8;
	[tilespmem:$0x10000] =	vst v63  }
0xb4: {  	_ =	swait.ge [sflag:s10], $0x2000  }
0xb5: {  	[sflag:s10] =	ssyncset.done $0x0  }
0xb6: {  	[sflag:s10] =	ssyncadd.s32 $0xFFFFE000  }
0xb7: {  	[hbm4b:s25+s3] =	stream.linear.scatter [tilespmem:s6], [sflag:$0x5], $0x2000, $0x38;
	[tilespmem:$0x10000] =	vst v63  }
0xb8: {  	_ =	swait.ge [sflag:s26], $0x2000  }
0xb9: {  	[sflag:s26] =	ssyncset.done $0x0  }
0xba: {  	[sflag:s26] =	ssyncadd.s32 $0xFFFFE000  }
0xbb: {  	[tilespmem:s11], [sflag:$0x9] =	stream.linear.gather [hbm4b:s28+s3], $0x2000, $0x38;
	[tilespmem:$0x10000] =	vst v63  }
0xbc: {  	_ =	swait.ge [sflag:s4], $0x2000  }
0xbd: {  	[sflag:s4] =	ssyncset.done $0x0  }
0xbe: {  	[sflag:s4] =	ssyncadd.s32 $0xFFFFE000  }
0xbf: {  	[tilespmem:s12], [sflag:$0x4] =	stream.indirect.gather [hbm4b:s2+s5], $0x1, s11, s5, $0xb8;
	[tilespmem:$0x10000] =	vst v63  }
0xc0: {  	_ =	swait.ge [sflag:s13], $0x2000  }
0xc1: {  	[sflag:s13] =	ssyncset.done $0x0  }
0xc2: {  	[sflag:s13] =	ssyncadd.s32 $0xFFFFE000  }
0xc3: {  	[hbm4b:s29+s3] =	stream.linear.scatter [tilespmem:s7], [sflag:$0x6], $0x2000, $0x38;
	[tilespmem:$0x10000] =	vst v63  }
0xc4: {  	_ =	swait.ge [sflag:s17], $0x2000  }
0xc5: {  	[sflag:s17] =	ssyncset.done $0x0  }
0xc6: {  	[sflag:s17] =	ssyncadd.s32 $0xFFFFE000  }
0xc7: {  	[hbm4b:s30+s3] =	stream.linear.scatter [tilespmem:s9], [sflag:$0x7], $0x2000, $0x38;
	[tilespmem:$0x10000] =	vst v63  }
0xc8: {  	_ =	swait.ge [sflag:s21], $0x2000  }
0xc9: {  	[sflag:s21] =	ssyncset.done $0x0  }
0xca: {  	[sflag:s21] =	ssyncadd.s32 $0xFFFFE000  }
0xcb: {  	[hbm4b:s31+s3] =	stream.linear.scatter [tilespmem:s12], [sflag:$0x8], $0x2000, $0x38;
	[tilespmem:$0x10000] =	vst v63  }
0xcc: {  	_ =	swait.ge [sflag:s15], $0x2000  }
0xcd: {  	[sflag:s15] =	ssyncset.done $0x0  }
0xce: {  	[sflag:s15] =	ssyncadd.s32 $0xFFFFE000  }
0xcf: {  	_ =	swait.ge [sflag:s19], $0x2000  }
0xd0: {  	p0 =	sne.s32 s0, $0x1;
	[sflag:s19] =	ssyncset.done $0x0  }
.Ltmp1:
0xd1: {  	[sflag:s19] =	ssyncadd.s32 $0xFFFFE000;
	(pc) =	sbr.rel @p0 .LBB2_1-.Ltmp1, $4  }
0xd2: {  	_ =	swait.ge [sflag:s23], $0x2000  }
0xd3: {  	[sflag:s23] =	ssyncset.done $0x0  }
0xd4: {  	[sflag:s23] =	ssyncadd.s32 $0xFFFFE000  }
0xd5: {  	s0 =	sadd.s32 $0xFFFFFFFF, s0;
	_ =	swait.ge [sflag:s26], $0x2000  }
.LBB2_2:
0xd6: {  	[sflag:s26] =	ssyncset.done $0x0  }
0xd7: {  	[sflag:s26] =	ssyncadd.s32 $0xFFFFE000  }
0xd8: {  	_ =	sfence.sel $0x180000  }
0xd9: {  	[bflag:$0x0] =	sbarrier.arrive $0xFFFF  }
0xda: {  	_ =	strace $0x90000047  }
0xdb: {  	s0 =	stileid.u32;
	[bflag:$0x2] =	sbarrier.arrive $0xFFFF  }
0xdc: {  	p0 =	sne.s32 s0, $0x0;
	s0 =	rddreg [dreg:$0x3]  }
0xdd: {  	s0 =	sadd.s32 @!p0 $0x100000, s0  }
0xde: {  	[sflag:s0] =	ssyncadd.tile.s32 @!p0 $0x1;
	_ =	shalt  }
.Lfunc_end2:
_tile_overlayer_lowered:
.L_overlay_start_2:
0xdf: {  	(tag) =	ssettag $0x2  }
0xe0: {  	s0 =	rddreg [dreg:$0x0];
	s2 =	stileid.u32  }
0xe1: {  	s1 =	rddreg [dreg:$0x1];
	p0 =	sne.s32 s2, $0x0  }
0xe2: {  	s3 =	rddreg [dreg:$0x2];
	[bflag:$0x3] =	sbarrier.arrive $0xFFFF;
	s2 =	simm.s32 @!p0 $0x1C09  }
0xe3: {  	[timem:s3], [sflag:s2] =	dma.local @!p0 [hbm:s0], s1  }
0xe4: {  	s0 =	simm.s32 @!p0 $0x9  }
0xe5: {  	_ =	swait.ge @!p0 [sflag:s0], s1  }
0xe6: {  	s1 =	ssub.s32 @!p0 $0x0, s1;
	[sflag:s0] =	ssyncset.done @!p0 $0x0  }
0xe7: {  	[sflag:s0] =	ssyncadd.s32 @!p0 s1  }
0xe8: {  	[bflag:$0x3] =	sbarrier.arrive $0xFFFF  }
0xe9: {  	_ =	shalt  }

</sc_bundles>
